<compile_context>
chip_gen: v7x
topology: tpu7x:2x2x1
jax: 0.10.2.dev20260603
libtpu: 0.0.44.dev20260713+nightly
codegen_flags: <defaults>
</compile_context>

<pallas_src>
import jax
import jax.numpy as jnp
from jax import lax
from jax.experimental import pallas as pl
from jax.experimental.pallas import tpu as pltpu

_B = 32
_H = 64
_DICT = 1_000_000
_CH = 4_000


def _probe_body(keys_ref, out_ref, buf_ref, sem):
    pltpu.make_async_copy(keys_ref.at[pl.ds(0, _CH)], buf_ref, sem).start()
    pltpu.make_async_copy(keys_ref.at[pl.ds(0, _CH)], buf_ref, sem).wait()
    out_ref[...] = buf_ref[0:8, 0:128].astype(jnp.float32)


_probe_call = pl.pallas_call(
    _probe_body,
    in_specs=[pl.BlockSpec(memory_space=pl.ANY)],
    out_shape=jax.ShapeDtypeStruct((8, 128), jnp.float32),
    scratch_shapes=[
        pltpu.VMEM((_CH, 128), jnp.bfloat16),
        pltpu.SemaphoreType.DMA,
    ],
)


def kernel(x_t, h, c, W_i2h, b_i2h, W_h2h, b_h2h, mem_keys, mem_vals):
    kb = jnp.pad(mem_keys.astype(jnp.bfloat16), ((0, 0), (0, 64)))
    r = _probe_call(kb)
    z = jnp.sum(r) * 0.0
    return (jnp.zeros((_B, _H), jnp.float32) + z,
            jnp.zeros((_B, _H), jnp.float32) + z)

# --- scband reference (transcript-rebuilt; emitter-appended) ---
"""Pipeline reference for scband-dndlstmcell-47631187312927 (READ-ONLY COPY).

The authoritative reference and input builder live on the scoring server;
editing this copy changes nothing except your own understanding.
"""

import jax, jax.numpy as jnp
import numpy as np

B = 32
D = 64          # input_dim
H = 64          # hidden_dim
DICT = 1000000  # dict_len
N_GATES = 4
EPS = 1e-8


def setup_inputs(seed: int = 0) -> dict:
    key = jax.random.key(seed)
    ks = jax.random.split(key, 8)
    x_t = jax.random.normal(ks[0], (B, D), dtype=jnp.float32)
    h = jax.random.normal(ks[1], (B, H), dtype=jnp.float32)
    c = jax.random.normal(ks[2], (B, H), dtype=jnp.float32)
    # Linear weights stored as [in, out] (torch stores [out, in]; math identical).
    W_i2h = jax.random.normal(ks[3], (D, (N_GATES + 1) * H), dtype=jnp.float32) * 0.05
    b_i2h = jnp.zeros(((N_GATES + 1) * H,), dtype=jnp.float32)
    W_h2h = jax.random.normal(ks[4], (H, (N_GATES + 1) * H), dtype=jnp.float32) * 0.05
    b_h2h = jnp.zeros(((N_GATES + 1) * H,), dtype=jnp.float32)
    # DND episodic memory: keys queried by x_t (dim D), vals are cell states (dim H).
    mem_keys = jax.random.normal(ks[5], (DICT, D), dtype=jnp.float32) * 0.05
    mem_vals = jax.random.normal(ks[6], (DICT, H), dtype=jnp.float32) * 0.05
    return {
        "x_t": x_t, "h": h, "c": c,
        "W_i2h": W_i2h, "b_i2h": b_i2h,
        "W_h2h": W_h2h, "b_h2h": b_h2h,
        "mem_keys": mem_keys, "mem_vals": mem_vals,
    }


def _dnd_get_memory(x_t, mem_keys, mem_vals):
    # cosine-similarity 1-NN retrieval (as in the dnd-lstm DND.get_memory)
    qn = x_t / (jnp.linalg.norm(x_t, axis=1, keepdims=True) + EPS)
    kn = mem_keys / (jnp.linalg.norm(mem_keys, axis=1, keepdims=True) + EPS)
    sims = qn @ kn.T                      # [B, DICT]
    best = jnp.argmax(sims, axis=1)       # [B]
    return jnp.take(mem_vals, best, axis=0)  # gather [B, H]


def reference(x_t, h, c, W_i2h, b_i2h, W_h2h, b_h2h, mem_keys, mem_vals):
    x_t = x_t.reshape(x_t.shape[0], -1)
    h = h.reshape(h.shape[0], -1)
    c = c.reshape(c.shape[0], -1)
    Wx = x_t @ W_i2h + b_i2h
    Wh = h @ W_h2h + b_h2h
    preact = Wx + Wh
    gates = jax.nn.sigmoid(preact[:, : N_GATES * H])
    f_t = gates[:, :H]
    i_t = gates[:, H:2 * H]
    o_t = gates[:, 2 * H:3 * H]
    r_t = gates[:, -H:]
    c_t_new = jnp.tanh(preact[:, N_GATES * H:])
    c_t = f_t * c + i_t * c_t_new
    m_t = jnp.tanh(_dnd_get_memory(x_t, mem_keys, mem_vals))
    c_t = c_t + r_t * m_t
    h_t = o_t * jnp.tanh(c_t)
    # dnd.save_memory(x_t, c_t) is a pure side effect on module state and does
    # not change the returned output, so it is omitted in this pure function.
    return (h_t, c_t)

if __name__ == "__main__":
    import jax
    _d = setup_inputs()
    print(jax.jit(kernel)(*tuple(_d.values())))

</pallas_src>

<mosaic_0001>
module attributes {stable_mosaic.version = 14 : i64} {
  func.func @_probe_body(%arg0: memref<1000000x128xbf16, #tpu.memory_space<any>>, %arg1: memref<8x128xf32, #tpu.memory_space<vmem>>, %arg2: memref<4000x128xbf16, #tpu.memory_space<vmem>>, %arg3: memref<!tpu.dma_semaphore, #tpu.memory_space<semaphore_mem>>) attributes {dimension_semantics = [], scalar_prefetch = 0 : i64, scratch_operands = 2 : i64, tpu.core_type = #tpu.core_type<tc>} {
    %dma_start3A = arith.constant 0 : i32
    %dma_start3A_0 = arith.constant 0 : i32
    %dma_start3A_1 = tpu.memref_slice %arg0[%dma_start3A, %dma_start3A_0] : memref<1000000x128xbf16, #tpu.memory_space<any>> -> memref<4000x128xbf16, #tpu.memory_space<any>>
    tpu.enqueue_dma source(%dma_start3A_1 : memref<4000x128xbf16, #tpu.memory_space<any>>) target(%arg2 : memref<4000x128xbf16, #tpu.memory_space<vmem>>) target_semaphore(%arg3 : memref<!tpu.dma_semaphore, #tpu.memory_space<semaphore_mem>>)
    %dma_wait3A = arith.constant 0 : i32
    %dma_wait3A_2 = arith.constant 0 : i32
    %dma_wait3A_3 = tpu.memref_slice %arg0[%dma_wait3A, %dma_wait3A_2] : memref<1000000x128xbf16, #tpu.memory_space<any>> -> memref<4000x128xbf16, #tpu.memory_space<any>>
    tpu.wait_dma2 semaphore(%arg3 : memref<!tpu.dma_semaphore, #tpu.memory_space<semaphore_mem>>) src(%dma_wait3A_3 : memref<4000x128xbf16, #tpu.memory_space<any>>) dst(%arg2 : memref<4000x128xbf16, #tpu.memory_space<vmem>>)
    %get3A = arith.constant 0 : index
    %get3A_4 = arith.constant 0 : index
    %get3A_5 = vector.load %arg2[%get3A, %get3A_4] : memref<4000x128xbf16, #tpu.memory_space<vmem>>, vector<8x128xbf16>
    %convert_element_type3A = arith.extf %get3A_5 : vector<8x128xbf16> to vector<8x128xf32>
    %swap3A = arith.constant 0 : index
    %swap3A_6 = arith.constant 0 : index
    %swap3A_7 = vector.load %arg1[%swap3A, %swap3A_6] : memref<8x128xf32, #tpu.memory_space<vmem>>, vector<8x128xf32>
    tpu.vector_store %arg1[%swap3A, %swap3A_6], %convert_element_type3A {strides = array<i32>} : memref<8x128xf32, #tpu.memory_space<vmem>>, vector<8x128xf32>,
    return
  }
}

</mosaic_0001>

<sc_bundles>
// kernel: sparse-core-data-format-call.cloned.1.call-start
scs
called_computation_lowered:
.L_overlay_start_0:
0x0: {  	s1 =	sld [smem:$0x3FD9]  }
0x1: {  	s2 =	sld [smem:$0x3FFE];
	_ =	sdelay $0x1  }
0x2: {  	s3 =	srdreg.scid  }
0x3: {  	s0 =	sand.u32 $0x1, s3  }
0x4: {  	s17 =	sshll.u32 s0, $0xA;
	s1 =	sadd.s32 s2, s1  }
0x5: {  	s1 =	sadd.s32 s1, s17  }
0x6: {  	[smem:$0x3FC7] =	sst s1  }
0x7: {  	_ = 	snop  }
0x8: {  	(tm) =	ssettm $0x1  }
0x9: {  	s18 =	sld [smem:$0x3FFB];
	_ =	sdelay $0x3  }
0xa: {  	_ =	strace s18  }
0xb: {  	s1 =	sld [smem:$0x3FFC];
	_ =	sdelay $0x3  }
0xc: {  	_ =	strace s1  }
0xd: {  	s1 =	sld [smem:$0x3FFD];
	_ =	sdelay $0x3  }
0xe: {  	_ =	strace s1  }
0xf: {  	_ =	strace $0x8FFFFFFF  }
0x10: {  	s19 =	sld [smem:$0x3FDB];
	_ =	sdelay $0x1  }
0x11: {  	s20 =	simm.s32 $_scs_section_size  }
0x12: {  	s4 =	simm.s32 $_size__tile_overlayer_lowered;
	s5 =	simm.s32 $_tile_overlayer_lowered  }
0x13: {  	s23 =	simm.s32 $0x1BFF;
	s22 =	sshll.u32 s5, $0x1;
	s1 =	sadd.s32 s20, s19  }
0x14: {  	s6 =	simm.s32 $0x0;
	s21 =	sshll.u32 s4, $0x1;
	s4 =	sadd.s32 s22, s1  }
0x15: {  	[timem:s6], [sflag:s23] =	dma.local [hbm:s4], s21  }
0x16: {  	_ =	swait.ge [sflag:s23], s21  }
0x17: {  	s2 =	ssub.s32 $0x0, s21;
	[sflag:s23] =	ssyncset.done $0x0  }
0x18: {  	[sflag:s23] =	ssyncadd.s32 s2;
	_ =	sdelay $0x1  }
0x19: {  	s24 =	simm.s32 $0x1B8B  }
0x1a: {  	_ =	swait.ge [sflag:s24], $0x1  }
0x1b: {  	[sflag:s24] =	ssyncset.done $0x0  }
0x1c: {  	s26 =	simm.s32 $0x1B8E;
	s25 =	sld [smem:$0x3FFE];
	[sflag:s24] =	ssyncadd.s32 $0xFFFFFFFF  }
0x1d: {  	s27 =	simm.s32 $execute0_lowered;
	[smem:$0x3FD2] =	sst s26  }
0x1e: {  	s4 =	sshll.u32 s27, $0x1;
	_ =	strace $0x80000046;
	[dreg:$0x1] =	wrdreg $0xFFFFFFFF  }
0x1f: {  	s28 =	simm.s32 $_size_execute0_lowered;
	s1 =	sadd.s32 s1, s4;
	[dreg:$0x0] =	wrdreg $0x0  }
0x20: {  	s4 =	sshll.u32 s28, $0x1;
	[dreg:$0x2] =	wrdreg s1  }
0x21: {  	[dreg:$0x3] =	wrdreg s4  }
0x22: {  	[dreg:$0x4] =	wrdreg $0xC0  }
0x23: {  	_ =	task [dreg:s6], $0x5FFFF  }
0x24: {  	[dreg:$0x1] =	wrdreg $0xFFFFFFFF  }
0x25: {  	[dreg:$0x0] =	wrdreg $0x60  }
0x26: {  	[dreg:$0x2] =	wrdreg s25  }
0x27: {  	[dreg:$0x3] =	wrdreg $0x9  }
0x28: {  	_ =	task.clear_ibuf [dreg:s6], $0x4FFFF;
	_ =	strace $0x90000046  }
0x29: {  	s29 =	simm.s32 $0x9;
	_ =	strace $0x80000048  }
0x2a: {  	_ =	swait.ge [sflag:s29], $0x1  }
0x2b: {  	[sflag:s29] =	ssyncadd.s32 $0xFFFFFFFF  }
0x2c: {  	_ =	strace $0x90000048  }
0x2d: {  	_ =	sfence  }
0x2e: {  	s30 =	sld [smem:$0x0];
	_ =	sdelay $0x2  }
0x2f: {  	s31 =	sshll.u32 s3, $0xD;
	s3 =	sshrl.u32 s3, $0x2  }
0x30: {  	s2 =	sand.u32 $0x4000, s31;
	s1 =	sadd.s32 s3, s30  }
0x31: {  	s0 =	sor.u32 s2, s0;
	s1 =	sshll.u32 s1, $0x11  }
0x32: {  	s0 =	sor.u32 s1, s0  }
0x33: {  	s0 =	sadd.s32 $0x8F2B, s0  }
0x34: {  	[sflag:s0] =	ssyncadd.remote.s32 $0x1  }
0x35: {  	_ =	sfence.sel $0xFFFF  }
0x36: {  	[dreg:$0x0] =	wrdreg $0xFFFFFFFF;
	(pc) =	sbr.abs _section_cstart, $3  }
0x37: {  	[dreg:$0x1] =	wrdreg $0xFFFFFFFF  }
0x38: {  	_ =	task.clear_ibuf [dreg:s6], $0x2FFFF;
	_ =	strace $0x9FFFFFFF  }
0x39: {  	(tm) =	ssettm $0x7FFFFFFF  }
tec
execute0_lowered:
.L_overlay_start_1:
0x0: {  	(tag) =	ssettag $0x1  }
0x1: {  	s0 =	srdreg.scid  }
0x2: {  	s2 =	rddreg [dreg:$0x0];
	s1 =	stileid.u32  }
0x3: {  	s4 =	simm.s32 $0x1;
	s6 =	simm.s32 $0x2;
	s15 =	simm.s32 $0x0  }
0x4: {  	p0 =	por $0x0, $0x0;
	s8 =	simm.s32 $0x80;
	s0 =	sshll.u32 s0, $0x4  }
0x5: {  	s14 =	simm.s32 $0x0;
	s9 =	simm.s32 $0x0;
	s3 =	sand.u32 $0x10, s0  }
.Ltmp0:
0x6: {  	s10 =	simm.s32 $0x0;
	s3 =	sor.u32 s1, s3;
	(pc) =	sbr.rel .LBB1_1-.Ltmp0, $4  }
0x7: {  	s0 =	rddreg [dreg:$0x1];
	_ =	strace $0x80000047;
	s3 =	sshll.u32 s3, $0x7  }
0x8: {  	s12 =	simm.s32 $0x0;
	[sflag:s4] =	ssyncpa.u1 $0x0;
	s7 =	ssub.s32 $0xF4200, s3  }
0x9: {  	s13 =	simm.s32 $0x0;
	[sflag:s6] =	ssyncpa.u1 $0x0;
	s6 =	sshrl.u32 s7, $0xC  }
0xa: {  	s5 =	sadd.s32 $0x3D0A00, s2;
	s11 =	smov.u32 s3;
	s7 =	sadd.s32 $0x2, s6  }
.LBB1_5:
0xb: {  	p1 =	slt.u32 s13, $0x2  }
0xc: {  	s17 =	smov.u32 s15;
	p2 =	sgt.s32 @!p1 s15, $0xF41C0;
	s16 =	sshra.s32 @!p1 s15, $0x1F  }
0xd: {  	p3 =	sgt.s32 @!p1 s14, $0x40;
	s18 =	sshra.s32 @!p1 s14, $0x1F;
	p2 =	por !p2, p1  }
0xe: {  	s15 =	sand.u32 @!p1 s16, s15;
	p3 =	por !p3, p1;
	s16 =	smov.u32 s14  }
0xf: {  	s14 =	sand.u32 @!p1 s18, s14;
	s17 =	simm.s32 @p2 $0xF41C0;
	s16 =	simm.s32 @p3 $0x40  }
0x10: {  	s15 =	ssub.s32 @!p1 s17, s15;
	s14 =	ssub.s32 @!p1 s16, s14  }
0x11: {  	s18 =	smov.u32 s12;
	s16 =	sadd.s32 @!p1 $0xFFF0BE40, s15;
	s17 =	sadd.s32 @!p1 $0xFFFFFFC0, s14  }
0x12: {  	s15 =	ssub.s32 @!p1 $0xF4240, s15;
	p2 =	sgt.s32 @!p1 s16, $0x7F;
	p3 =	sgt.s32 @!p1 s17, $0x3F  }
0x13: {  	s14 =	ssub.s32 @!p1 $0x80, s14;
	p2 =	por !p2, p1;
	p3 =	por !p3, p1  }
0x14: {  	s16 =	sadd.s32 $0x1000, s11;
	s15 =	simm.s32 @!p2 $0x0;
	s14 =	simm.s32 @!p3 $0x0  }
0x15: {  	p2 =	sgt.s32 s16, $0xF423F;
	s14 =	smul.u32 @!p1 s14, s15;
	s15 =	sadd.s32 $0x40, s12  }
0x16: {  	s18 =	smov.u32 @p2 s15  }
0x17: {  	s16 =	smov.u32 @p2 s3;
	p2 =	sgt.s32 s18, $0x3F  }
0x18: {  	p0 =	por !p0, !p0;
	s18 =	simm.s32 @p2 $0x0;
	p2 =	sne.s32 s13, s7  }
.Ltmp1:
0x19: {  	s17 =	simm.s32 @!p1 $0x2;
	s14 =	sshrl.u32 @!p1 s14, $0x1;
	(pc) =	sbr.rel @!p2 .LBB1_6-.Ltmp1, $4  }
0x1a: {  	s15 =	smov.u32 s9;
	s9 =	smov.u32 s11;
	s14 =	sand.u32 @!p1 $0x3FFFFFFF, s14  }
0x1b: {  	s11 =	smov.u32 s16;
	s13 =	sadd.s32 $0x1, s13;
	_ =	swait.ge @!p1 [sflag:s17], s14  }
0x1c: {  	s19 =	ssub.s32 @!p1 $0x0, s14;
	s14 =	smov.u32 s10;
	[sflag:s17] =	ssyncset.done @!p1 $0x0  }
0x1d: {  	s10 =	smov.u32 s12;
	s12 =	smov.u32 s18;
	[sflag:s17] =	ssyncadd.s32 @!p1 s19  }
.LBB1_1:
0x1e: {  	p1 =	sgt.u32 s13, s6  }
0x1f: {  	s16 =	sshrl.u32 @!p1 s12, $0x3  }
0x20: {  	s17 =	sshll.u32 @!p1 s11, $0x3;
	s16 =	smul.u32 @!p1 $0x7A1400, s16  }
0x21: {  	s18 =	sshll.u32 @!p1 s12, $0x7;
	s17 =	sand.u32 @!p1 $0xFFFFFC00, s17  }
0x22: {  	s16 =	sadd.s32 @!p1 s16, s17;
	s17 =	sand.u32 @!p1 $0x300, s18;
	s18 =	sshll.u32 @!p1 s11, $0x1  }
0x23: {  	s16 =	sor.u32 @!p1 s17, s16;
	s17 =	sand.u32 @!p1 $0xFE, s18  }
0x24: {  	s18 =	sand.u32 @!p1 $0x1, s12;
	s16 =	sor.u32 @!p1 s17, s16  }
0x25: {  	s17 =	sor.u32 @!p1 s18, s16  }
0x26: {  	s18 =	smulhi.u32 @!p1 $0x218D6287, s17;
	_ =	sdelay $0x1  }
0x27: {  	s16 =	smulhi.u32 @!p1 $0x218D6287, s16;
	s18 =	sshrl.u32 @!p1 s18, $0x11  }
0x28: {  	s18 =	smul.u32 @!p1 $0xF4280, s18  }
0x29: {  	s16 =	sshrl.u32 @!p1 s16, $0x11  }
0x2a: {  	s16 =	sand.u32 @!p1 $0x3F, s16;
	s17 =	ssub.s32 @!p1 s17, s18  }
0x2b: {  	s16 =	smul.u32 @!p1 $0xF428, s16;
	s18 =	sshrl.u32 @!p1 s17, $0x4  }
0x2c: {  	s19 =	sxor.u32 @!p1 $0xFFFFFFFF, s13;
	s17 =	sshll.u32 @!p1 s17, $0x11;
	s18 =	sadd.s32 @!p1 s2, s18  }
0x2d: {  	s17 =	sand.u32 @!p1 $0x1C0000, s17;
	s16 =	sadd.s32 @!p1 s16, s18;
	s18 =	sshll.u32 @!p1 s19, $0xC  }
0x2e: {  	s17 =	sor.u32 @!p1 $0x200, s17;
	s19 =	simm.s32 @!p1 $0x3D0A00;
	s18 =	sand.u32 @!p1 $0x1000, s18  }
0x2f: {  	[tilespmem:s18], [sflag:$0x1] =	stream.strided.gather @!p1 [hbm4b:s16+s17], $0x1000, s19, s17, $0x38;
	[tilespmem:$0x4080] =	vst v63  }
0x30: {  	p1 =	seq.s32 s13, $0x0  }
0x31: {  	p2 =	sge.u32 @!p1 s13, s7  }
0x32: {  	p1 =	por p1, p2  }
.Ltmp2:
0x33: {  	_ = 	snop;
	(pc) =	sbr.rel @p1 .LBB1_5-.Ltmp2, $1  }
0x34: {  	_ =	sdelay $0x3  }
0x35: {  	s16 =	simm.s32 $0x1  }
0x36: {  	_ =	swait.ge [sflag:s4], $0x1000;
	s16 =	simm.s32 @!p0 $0x0  }
0x37: {  	[sflag:s4] =	ssyncset.done $0x0;
	s16 =	sshll.u32 s16, $0xC  }
0x38: {  	[sflag:s4] =	ssyncadd.s32 $0xFFFFF000;
	s16 =	sor.u32 $0x40, s16  }
0x39: {  	v0 =	vld [tilespmem:s16+$0x20]  }
0x3a: {  	v1 =	vld [tilespmem:s16+$0x30]  }
0x3b: {  	v2 =	vld [tilespmem:s16+$0xFFFFFFD0]  }
0x3c: {  	v5 =	vld [tilespmem:s16+$0x0]  }
0x3d: {  	v6 =	vld [tilespmem:s16+$0x10]  }
0x3e: {  	s17 =	sand.u32 $0x1, s13;
	v3 =	vld [tilespmem:s16+$0xFFFFFFE0]  }
0x3f: {  	s17 =	smul.u32 $0x4100, s17;
	v4 =	vld [tilespmem:s16+$0xFFFFFFF0]  }
0x40: {  	s18 =	simm.s32 $0x0;
	v1 =	vperm.xlane.i2c.b16 v1  }
0x41: {  	s19 =	sand.u32 $0x3C, s18;
	s17 =	sshrl.u32 s17, $0x2;
	v8 =	vld [tilespmem:s16+$0xFFFFFFC0];
	s20 =	sadd.s32 $0x80, s16;
	v7 =	vperm.xlane.i2c.b16 v0;
	v0 =	vperm.xlane.i2c.b16 v2  }
0x42: {  	s30 =	sand.u32 $0x40, s18;
	s31 =	sshrl.u32 s19, $0x1;
	s16 =	sor.u32 $0x2000, s17;
	v11 =	vld [tilespmem:s20+$0x30];
	v10 =	vperm.xlane.i2c.b16 v5;
	v13 =	vperm.xlane.i2c.b16 v6  }
0x43: {  	s17 =	sshrl.u32 s30, $0x1;
	s18 =	sadd.s32 s31, s16;
	v2 =	vld [tilespmem:s20+$0x20];
	v3 =	vperm.xlane.i2c.b16 v3;
	v9 =	vcombine.low v7, v1  }
0x44: {  	v12 =	vld [tilespmem:s20+$0xFFFFFFD0];
	s17 =	sadd.s32 s17, s18;
	v4 =	vperm.xlane.i2c.b16 v4;
	v14 =	vcombine.low v10, v13  }
0x45: {  	v1 =	vcombine.high v7, v1;
	v7 =	vld [tilespmem:s20+$0xFFFFFFE0];
	[tilespmem:s17+$0xC30 ss:$0x41] =	vst.msk $0xffff, v9  }
0x46: {  	v6 =	vld [tilespmem:s20+$0xFFFFFFF0];
	v5 =	vperm.xlane.i2c.b16 v8;
	v9 =	vcombine.low v3, v4;
	[tilespmem:s17+$0x820 ss:$0x41] =	vst.msk $0xffff, v14  }
0x47: {  	s18 =	simm.s32 $0x4;
	v8 =	vperm.xlane.i2c.b16 v11;
	[tilespmem:s17+$0xC31 ss:$0x41] =	vst.msk $0xffff, v1;
	v1 =	vcombine.high v3, v4;
	v4 =	vld [tilespmem:s20+$0x0]  }
0x48: {  	s19 =	simm.s32 $0x2;
	s22 =	sand.u32 $0x3C, s18;
	v10 =	vcombine.high v10, v13;
	v3 =	vld [tilespmem:s20+$0x10];
	[tilespmem:s17+$0x410 ss:$0x41] =	vst.msk $0xffff, v9;
	v9 =	vperm.xlane.i2c.b16 v2  }
0x49: {  	s21 =	sand.u32 $0x40, s18;
	s22 =	sshrl.u32 s22, $0x1;
	v11 =	vcombine.low v5, v0;
	v2 =	vld [tilespmem:s20+$0xFFFFFFC0];
	s20 =	sadd.s32 $0x80, s20;
	[tilespmem:s17+$0x411 ss:$0x41] =	vst.msk $0xffff, v1;
	v1 =	vperm.xlane.i2c.b16 v12  }
.LBB1_3:
0x4a: {  	v12 =	vld [tilespmem:s20+$0x20];
	s22 =	sadd.s32 s22, s16;
	s21 =	sshrl.u32 s21, $0x1;
	v13 =	vperm.xlane.i2c.b16 v7;
	v7 =	vcombine.low v9, v8;
	[tilespmem:s17+$0x821 ss:$0x41] =	vst.msk $0xffff, v10  }
0x4b: {  	s19 =	sadd.s32 $0x2, s19;
	v14 =	vld [tilespmem:s20+$0x30];
	s21 =	sadd.s32 s21, s22;
	v10 =	vperm.xlane.i2c.b16 v6;
	v6 =	vcombine.high v9, v8;
	[tilespmem:s17+$0x0 ss:$0x41] =	vst.msk $0xffff, v11  }
0x4c: {  	p1 =	slt.u32 s19, $0x3E;
	v11 =	vld [tilespmem:s20+$0xFFFFFFD0];
	v8 =	vperm.xlane.i2c.b16 v4;
	[tilespmem:s21+$0xC30 ss:$0x41] =	vst.msk $0xffff, v7;
	v4 =	vcombine.high v5, v0;
	v0 =	vmov v1  }
.Ltmp3:
0x4d: {  	v7 =	vld [tilespmem:s20+$0xFFFFFFE0];
	v1 =	vcombine.low v13, v10;
	v3 =	vperm.xlane.i2c.b16 v3;
	[tilespmem:s21+$0xC31 ss:$0x41] =	vst.msk $0xffff, v6;
	(pc) =	sbr.rel @p1 .LBB1_3-.Ltmp3, $4  }
0x4e: {  	v6 =	vld [tilespmem:s20+$0xFFFFFFF0];
	v5 =	vperm.xlane.i2c.b16 v2;
	v2 =	vcombine.high v13, v10;
	[tilespmem:s17+$0x1 ss:$0x41] =	vst.msk $0xffff, v4;
	s17 =	smov.u32 s21  }
0x4f: {  	s18 =	sadd.s32 $0x4, s18;
	v4 =	vld [tilespmem:s20+$0x0];
	[tilespmem:s17+$0x410 ss:$0x41] =	vst.msk $0xffff, v1;
	v13 =	vcombine.low v8, v3;
	v10 =	vcombine.high v8, v3  }
0x50: {  	s22 =	sand.u32 $0x3C, s18;
	v9 =	vperm.xlane.i2c.b16 v12;
	v3 =	vld [tilespmem:s20+$0x10];
	v8 =	vperm.xlane.i2c.b16 v14;
	[tilespmem:s17+$0x411 ss:$0x41] =	vst.msk $0xffff, v2  }
0x51: {  	s22 =	sshrl.u32 s22, $0x1;
	s21 =	sand.u32 $0x40, s18;
	v2 =	vld [tilespmem:s20+$0xFFFFFFC0];
	v1 =	vperm.xlane.i2c.b16 v11;
	s20 =	sadd.s32 $0x80, s20;
	v11 =	vcombine.low v5, v0;
	[tilespmem:s17+$0x820 ss:$0x41] =	vst.msk $0xffff, v13  }
0x52: {  	s18 =	sadd.s32 s22, s16;
	s19 =	sshll.u32 s9, $0x7;
	s20 =	sshll.u32 s10, $0x3  }
0x53: {  	s21 =	sshrl.u32 s21, $0x1;
	s24 =	sshll.u32 s10, $0x1;
	p1 =	sgt.s32 s9, $0xF41C0  }
0x54: {  	s22 =	smov.u32 s9;
	s26 =	sshra.s32 s9, $0x1F;
	s23 =	sand.u32 $0xFFFFFC00, s19  }
0x55: {  	s20 =	sand.u32 $0xFFFFFC00, s20;
	s19 =	sand.u32 $0x300, s19;
	s25 =	sand.u32 $0x80, s24  }
0x56: {  	s18 =	sadd.s32 s21, s18;
	s22 =	simm.s32 @!p1 $0xF41C0;
	p1 =	sgt.s32 s10, $0x40  }
0x57: {  	s21 =	smov.u32 s10;
	s20 =	sadd.s32 s20, s23;
	s23 =	sshra.s32 s10, $0x1F  }
0x58: {  	s21 =	simm.s32 @!p1 $0x40;
	s19 =	sor.u32 s19, s20;
	s20 =	sand.u32 s26, s9  }
0x59: {  	v7 =	vperm.xlane.i2c.b16 v7;
	[tilespmem:s17+$0x821 ss:$0x41] =	vst.msk $0xffff, v10;
	v0 =	vcombine.high v5, v0;
	s23 =	sand.u32 s23, s10;
	s19 =	sor.u32 s25, s19;
	s20 =	ssub.s32 s22, s20  }
0x5a: {  	v57 =	vcombine.low v9, v8;
	v6 =	vperm.xlane.i2c.b16 v6;
	[tilespmem:s17+$0x0 ss:$0x41] =	vst.msk $0xffff, v11;
	s21 =	ssub.s32 s21, s23;
	s19 =	sshrl.u32 s19, $0x7;
	s22 =	sadd.s32 $0xFFF0BE40, s20  }
0x5b: {  	v58 =	vcombine.high v9, v8;
	v4 =	vperm.xlane.i2c.b16 v4;
	[tilespmem:s17+$0x1 ss:$0x41] =	vst.msk $0xffff, v0;
	s23 =	sadd.s32 $0xFFFFFFC0, s21;
	s20 =	ssub.s32 $0xF4240, s20;
	s21 =	ssub.s32 $0x80, s21  }
0x5c: {  	[tilespmem:s18+$0xC30 ss:$0x41] =	vst.msk $0xffff, v57;
	v59 =	vcombine.low v7, v6;
	v3 =	vperm.xlane.i2c.b16 v3;
	s27 =	smulhi.u32 $0x218DEF5, s19;
	p1 =	sgt.s32 s22, $0x7F;
	p2 =	sgt.s32 s23, $0x3F  }
0x5d: {  	[tilespmem:s18+$0xC31 ss:$0x41] =	vst.msk $0xffff, v58;
	v60 =	vcombine.high v7, v6;
	s20 =	simm.s32 @p1 $0x0;
	s21 =	simm.s32 @p2 $0x0  }
0x5e: {  	v2 =	vperm.xlane.i2c.b16 v2;
	[tilespmem:s18+$0x410 ss:$0x41] =	vst.msk $0xffff, v59;
	v61 =	vcombine.low v4, v3;
	s17 =	sshrl.u32 s27, $0xD;
	s20 =	smul.u32 s21, s20  }
0x5f: {  	v3 =	vcombine.high v4, v3;
	[tilespmem:s18+$0x411 ss:$0x41] =	vst.msk $0xffff, v60;
	s17 =	smul.u32 $0xF4240, s17  }
.Ltmp4:
0x60: {  	s28 =	sshrl.u32 s10, $0x3;
	s29 =	sand.u32 $0x7, s10;
	v62 =	vcombine.low v2, v1;
	[tilespmem:s18+$0x820 ss:$0x41] =	vst.msk $0xffff, v61;
	(pc) =	sbr.rel .LBB1_5-.Ltmp4, $4  }
0x61: {  	v63 =	vcombine.high v2, v1;
	[tilespmem:s18+$0x821 ss:$0x41] =	vst.msk $0xffff, v3;
	s21 =	sshll.u32 s29, $0x12;
	s17 =	ssub.s32 s19, s17;
	s19 =	sand.u32 $0x7, s28  }
0x62: {  	[tilespmem:s18+$0x0 ss:$0x41] =	vst.msk $0xffff, v62;
	s20 =	sshrl.u32 s20, $0x1;
	s17 =	sshll.u32 s17, $0x3;
	s19 =	sadd.s32 s5, s19  }
0x63: {  	[tilespmem:s18+$0x1 ss:$0x41] =	vst.msk $0xffff, v63;
	s31 =	sor.u32 $0x40, s21;
	s30 =	sand.u32 $0x3FFFFFFF, s20;
	s17 =	sadd.s32 s17, s19  }
0x64: {  	[hbm4b:s17+s31] =	stream.strided.scatter [tilespmem:s16], [sflag:$0x2], s30, s8, s31, $0x18;
	[tilespmem:$0x4080] =	vst v63  }
.LBB1_6:
0x65: {  	_ =	sfence.sel $0x180000  }
0x66: {  	s2 =	simm.s32 $0x1;
	[bflag:$0x0] =	sbarrier.arrive $0xFFFF  }
0x67: {  	s31 =	simm.s32 $0x2;
	[sflag:s2] =	ssyncpa.u1 $0x1  }
0x68: {  	[sflag:s31] =	ssyncpa.u1 $0x1  }
0x69: {  	p0 =	sne.s32 s1, $0x0;
	_ =	strace $0x90000047  }
0x6a: {  	s0 =	sadd.s32 @!p0 $0x100000, s0;
	[bflag:$0x2] =	sbarrier.arrive $0xFFFF  }
0x6b: {  	[sflag:s0] =	ssyncadd.tile.s32 @!p0 $0x1;
	_ =	shalt  }
.Lfunc_end1:
_tile_overlayer_lowered:
.L_overlay_start_2:
0x6c: {  	(tag) =	ssettag $0x2  }
0x6d: {  	s0 =	rddreg [dreg:$0x0];
	s2 =	stileid.u32  }
0x6e: {  	s1 =	rddreg [dreg:$0x1];
	p0 =	sne.s32 s2, $0x0  }
0x6f: {  	s3 =	rddreg [dreg:$0x2];
	[bflag:$0x3] =	sbarrier.arrive $0xFFFF;
	s2 =	simm.s32 @!p0 $0x1C01  }
0x70: {  	[timem:s3], [sflag:s2] =	dma.local @!p0 [hbm:s0], s1  }
0x71: {  	s0 =	simm.s32 @!p0 $0x1  }
0x72: {  	_ =	swait.ge @!p0 [sflag:s0], s1  }
0x73: {  	s1 =	ssub.s32 @!p0 $0x0, s1;
	[sflag:s0] =	ssyncset.done @!p0 $0x0  }
0x74: {  	[sflag:s0] =	ssyncadd.s32 @!p0 s1  }
0x75: {  	[bflag:$0x3] =	sbarrier.arrive $0xFFFF  }
0x76: {  	_ =	shalt  }

</sc_bundles>
